<compile_context>
chip_gen: v7x
topology: tpu7x:2x2x1
jax: 0.10.2.dev20260603
libtpu: 0.0.44.dev20260713+nightly
codegen_flags: <defaults>
</compile_context>

<pallas_src>
import functools

import jax
import jax.numpy as jnp
from jax import lax
from jax.experimental import pallas as pl
from jax.experimental.pallas import tpu as pltpu
from jax.experimental.pallas import tpu_sc as plsc

AGE_CATEGORIES = 7
OCC_CATEGORIES = 21
GENRES_CATEGORIES = 18
EMBED_DIM = 128
BATCH = 16384

NUM_CORES = 2
NUM_SUBCORES = 16
NW = NUM_CORES * NUM_SUBCORES
BPW = BATCH // NW
CHUNK = 128
NCH = BPW // CHUNK

_MESH = plsc.VectorSubcoreMesh(core_axis_name="c", subcore_axis_name="s")


@functools.partial(
    pl.kernel,
    out_type=(
        jax.ShapeDtypeStruct((BATCH, EMBED_DIM), jnp.float32),
        jax.ShapeDtypeStruct((BATCH, EMBED_DIM), jnp.float32),
    ),
    mesh=_MESH,
    scratch_types=[
        pltpu.VMEM((NCH, CHUNK), jnp.int32),
        pltpu.VMEM((BPW, EMBED_DIM), jnp.float32),
        pltpu.SemaphoreType.DMA,
    ],
)
def _two_tower(ut, mt, uidx, midx, uout, mout, idx_v, rows_v, sem):
    wid = lax.axis_index("s") * NUM_CORES + lax.axis_index("c")
    base = wid * BPW

    pltpu.sync_copy(uidx.at[wid], idx_v)
    copies = [
        pltpu.async_copy(ut.at[idx_v.at[j]],
                         rows_v.at[pl.ds(j * CHUNK, CHUNK)], sem)
        for j in range(NCH)
    ]
    for c in copies:
        c.wait()
    pltpu.sync_copy(rows_v, uout.at[pl.ds(base, BPW)])

    pltpu.sync_copy(midx.at[wid], idx_v)
    copies = [
        pltpu.async_copy(mt.at[idx_v.at[j]],
                         rows_v.at[pl.ds(j * CHUNK, CHUNK)], sem)
        for j in range(NCH)
    ]
    for c in copies:
        c.wait()
    pltpu.sync_copy(rows_v, mout.at[pl.ds(base, BPW)])


def kernel(user_features, movie_features, user_table, movie_table):
    uidx = user_features[:, 0].astype(jnp.int32).reshape(NW, NCH, CHUNK)
    midx = movie_features[:, 0].astype(jnp.int32).reshape(NW, NCH, CHUNK)
    uemb, memb = _two_tower(user_table, movie_table, uidx, midx)
    user_embedded = jnp.concatenate([uemb, user_features[:, 1:]], axis=1)
    movie_embedded = jnp.concatenate([memb, movie_features[:, 1:]], axis=1)
    return (user_embedded, movie_embedded)

# --- scband reference (transcript-rebuilt; emitter-appended) ---
"""Pipeline reference for scband-two-tower-model-4312147165858 (READ-ONLY COPY).

The authoritative reference and input builder live on the scoring server;
editing this copy changes nothing except your own understanding.
"""

import jax, jax.numpy as jnp
import numpy as np

AGE_CATEGORIES = 7
OCC_CATEGORIES = 21
GENRES_CATEGORIES = 18
EMBED_DIM = 128
USER_NUM = 1000000
MOVIE_NUM = 100000
BATCH = 16384


def setup_inputs(seed: int = 0) -> dict:
    key = jax.random.key(seed)
    k1, k2, k3, k4 = jax.random.split(key, 4)
    # user_features: col0 = user id (stored as float), col1 = scalar feature,
    # cols 2..AGE+1 = age one-hot region, cols AGE+1.. = occupation region.
    # Total cols = 2 + AGE_CATEGORIES + OCC_CATEGORIES = 30.
    user_features = jax.random.randint(k1, (BATCH, 2 + AGE_CATEGORIES + OCC_CATEGORIES), 0, USER_NUM).astype(jnp.float32)
    # movie_features: col0 = movie id, cols 1.. = genres (19 cols total)
    movie_features = jax.random.randint(k2, (BATCH, 1 + GENRES_CATEGORIES), 0, MOVIE_NUM).astype(jnp.float32)
    user_table = jax.random.normal(k3, (USER_NUM, EMBED_DIM), dtype=jnp.float32) * 0.02
    movie_table = jax.random.normal(k4, (MOVIE_NUM, EMBED_DIM), dtype=jnp.float32) * 0.02
    return {
        "user_features": user_features,
        "movie_features": movie_features,
        "user_table": user_table,
        "movie_table": movie_table,
    }


def reference(user_features, movie_features, user_table, movie_table):
    uidx = user_features[:, 0].astype(jnp.int32)
    midx = movie_features[:, 0].astype(jnp.int32)
    user_embedded = jnp.concatenate(
        [
            jnp.take(user_table, uidx, axis=0),
            user_features[:, 1:2],
            user_features[:, 2:AGE_CATEGORIES + 1],
            user_features[:, AGE_CATEGORIES + 1:],
        ],
        axis=1,
    )
    movie_embedded = jnp.concatenate(
        [
            jnp.take(movie_table, midx, axis=0),
            movie_features[:, 1:],
        ],
        axis=1,
    )
    return (user_embedded, movie_embedded)

if __name__ == "__main__":
    import jax
    _d = setup_inputs()
    print(jax.jit(kernel)(*tuple(_d.values())))

</pallas_src>

<mosaic_0001>
#map = affine_map<(d0, d1) -> (0, 0)>
#map1 = affine_map<(d0, d1) -> (0, 0, 0)>
module attributes {stable_mosaic.version = 14 : i64} {
  func.func @_two_tower(%arg0: i32, %arg1: i32, %arg2: memref<1000000x128xf32, #tpu.memory_space<hbm>>, %arg3: memref<100000x128xf32, #tpu.memory_space<hbm>>, %arg4: memref<32x4x128xi32, #tpu.memory_space<hbm>>, %arg5: memref<32x4x128xi32, #tpu.memory_space<hbm>>, %arg6: memref<16384x128xf32, #tpu.memory_space<hbm>>, %arg7: memref<16384x128xf32, #tpu.memory_space<hbm>>, %arg8: memref<4x128xi32, #tpu.memory_space<vmem>>, %arg9: memref<512x128xf32, #tpu.memory_space<vmem>>, %arg10: memref<!tpu.dma_semaphore, #tpu.memory_space<semaphore_mem>>) attributes {dimension_semantics = [#tpu.dimension_semantics<core_parallel>, #tpu.dimension_semantics<subcore_parallel>], iteration_bounds = array<i64: 2, 16>, scalar_prefetch = 0 : i64, scratch_operands = 3 : i64, tpu.core_type = #tpu.core_type<sc_vector_subcore>, window_params = [{transform_indices = #map}, {transform_indices = #map}, {transform_indices = #map1}, {transform_indices = #map1}, {transform_indices = #map}, {transform_indices = #map}]} {
    %mul3A = arith.constant 2 : i32
    %mul3A_0 = arith.muli %arg1, %mul3A : i32
    %add3A = arith.addi %mul3A_0, %arg0 : i32
    %mul3A_1 = arith.constant 512 : i32
    %mul3A_2 = arith.muli %add3A, %mul3A_1 : i32
    "tpu.region"() ({
      %run_scoped3A = tpu.sem_alloc : memref<!tpu.dma_semaphore, #tpu.memory_space<semaphore_mem>>
      %dma_start3A_161 = arith.constant 0 : i32
      %dma_start3A_162 = arith.constant 0 : i32
      %dma_start3A_163 = tpu.memref_slice %arg4[%add3A, %dma_start3A_161, %dma_start3A_162] : memref<32x4x128xi32, #tpu.memory_space<hbm>> -> memref<1x4x128xi32, #tpu.memory_space<hbm>>
      %dma_start3A_164 = tpu.memref_squeeze %dma_start3A_163 : memref<1x4x128xi32, #tpu.memory_space<hbm>> -> memref<4x128xi32, #tpu.memory_space<hbm>>
      %dma_start3A_165 = arith.constant 0 : i32
      %dma_start3A_166 = arith.constant 0 : i32
      %dma_start3A_167 = tpu.memref_slice %arg4[%add3A, %dma_start3A_165, %dma_start3A_166] : memref<32x4x128xi32, #tpu.memory_space<hbm>> -> memref<1x4x128xi32, #tpu.memory_space<hbm>>
      %dma_start3A_168 = tpu.memref_squeeze %dma_start3A_167 : memref<1x4x128xi32, #tpu.memory_space<hbm>> -> memref<4x128xi32, #tpu.memory_space<hbm>>
      tpu.enqueue_dma source(%dma_start3A_168 : memref<4x128xi32, #tpu.memory_space<hbm>>) target(%arg8 : memref<4x128xi32, #tpu.memory_space<vmem>>) target_semaphore(%run_scoped3A : memref<!tpu.dma_semaphore, #tpu.memory_space<semaphore_mem>>)
      %dma_wait3A_169 = arith.constant 0 : i32
      %dma_wait3A_170 = arith.constant 0 : i32
      %dma_wait3A_171 = tpu.memref_slice %arg4[%add3A, %dma_wait3A_169, %dma_wait3A_170] : memref<32x4x128xi32, #tpu.memory_space<hbm>> -> memref<1x4x128xi32, #tpu.memory_space<hbm>>
      %dma_wait3A_172 = tpu.memref_squeeze %dma_wait3A_171 : memref<1x4x128xi32, #tpu.memory_space<hbm>> -> memref<4x128xi32, #tpu.memory_space<hbm>>
      %dma_wait3A_173 = arith.constant 0 : i32
      %dma_wait3A_174 = arith.constant 0 : i32
      %dma_wait3A_175 = tpu.memref_slice %arg4[%add3A, %dma_wait3A_173, %dma_wait3A_174] : memref<32x4x128xi32, #tpu.memory_space<hbm>> -> memref<1x4x128xi32, #tpu.memory_space<hbm>>
      %dma_wait3A_176 = tpu.memref_squeeze %dma_wait3A_175 : memref<1x4x128xi32, #tpu.memory_space<hbm>> -> memref<4x128xi32, #tpu.memory_space<hbm>>
      tpu.wait_dma2 semaphore(%run_scoped3A : memref<!tpu.dma_semaphore, #tpu.memory_space<semaphore_mem>>) src(%dma_wait3A_176 : memref<4x128xi32, #tpu.memory_space<hbm>>) dst(%arg8 : memref<4x128xi32, #tpu.memory_space<vmem>>)
      tpu.yield
    }) : () -> ()
    %dma_start3A = arith.constant 0 : i32
    %dma_start3A_3 = arith.constant 0 : i32
    %dma_start3A_4 = arith.constant 0 : i32
    %dma_start3A_5 = tpu.memref_slice %arg9[%dma_start3A_3, %dma_start3A_4] : memref<512x128xf32, #tpu.memory_space<vmem>> -> memref<128x128xf32, #tpu.memory_space<vmem>>
    %dma_start3A_6 = arith.constant 0 : i32
    %dma_start3A_7 = tpu.memref_slice %arg8[%dma_start3A, %dma_start3A_6] : memref<4x128xi32, #tpu.memory_space<vmem>> -> memref<1x128xi32, #tpu.memory_space<vmem>>
    %dma_start3A_8 = tpu.memref_squeeze %dma_start3A_7 : memref<1x128xi32, #tpu.memory_space<vmem>> -> memref<128xi32, #tpu.memory_space<vmem>>
    %dma_start3A_9 = arith.constant 0 : i32
    %dma_start3A_10 = arith.constant 0 : i32
    %dma_start3A_11 = tpu.memref_slice %arg2[%dma_start3A_9, %dma_start3A_10] : memref<1000000x128xf32, #tpu.memory_space<hbm>> -> memref<1000000x128xf32, #tpu.memory_space<hbm>>
    tpu.enqueue_indirect_dma source(%dma_start3A_11 : memref<1000000x128xf32, #tpu.memory_space<hbm>>) target(%dma_start3A_5 : memref<128x128xf32, #tpu.memory_space<vmem>>) offsets(%dma_start3A_8 : memref<128xi32, #tpu.memory_space<vmem>>) semaphore(%arg10 : memref<!tpu.dma_semaphore, #tpu.memory_space<semaphore_mem>>)
    %dma_start3A_12 = arith.constant 1 : i32
    %dma_start3A_13 = arith.constant 128 : i32
    %dma_start3A_14 = arith.constant 0 : i32
    %dma_start3A_15 = tpu.memref_slice %arg9[%dma_start3A_13, %dma_start3A_14] : memref<512x128xf32, #tpu.memory_space<vmem>> -> memref<128x128xf32, #tpu.memory_space<vmem>>
    %dma_start3A_16 = arith.constant 0 : i32
    %dma_start3A_17 = tpu.memref_slice %arg8[%dma_start3A_12, %dma_start3A_16] : memref<4x128xi32, #tpu.memory_space<vmem>> -> memref<1x128xi32, #tpu.memory_space<vmem>>
    %dma_start3A_18 = tpu.memref_squeeze %dma_start3A_17 : memref<1x128xi32, #tpu.memory_space<vmem>> -> memref<128xi32, #tpu.memory_space<vmem>>
    %dma_start3A_19 = arith.constant 0 : i32
    %dma_start3A_20 = arith.constant 0 : i32
    %dma_start3A_21 = tpu.memref_slice %arg2[%dma_start3A_19, %dma_start3A_20] : memref<1000000x128xf32, #tpu.memory_space<hbm>> -> memref<1000000x128xf32, #tpu.memory_space<hbm>>
    tpu.enqueue_indirect_dma source(%dma_start3A_21 : memref<1000000x128xf32, #tpu.memory_space<hbm>>) target(%dma_start3A_15 : memref<128x128xf32, #tpu.memory_space<vmem>>) offsets(%dma_start3A_18 : memref<128xi32, #tpu.memory_space<vmem>>) semaphore(%arg10 : memref<!tpu.dma_semaphore, #tpu.memory_space<semaphore_mem>>)
    %dma_start3A_22 = arith.constant 2 : i32
    %dma_start3A_23 = arith.constant 256 : i32
    %dma_start3A_24 = arith.constant 0 : i32
    %dma_start3A_25 = tpu.memref_slice %arg9[%dma_start3A_23, %dma_start3A_24] : memref<512x128xf32, #tpu.memory_space<vmem>> -> memref<128x128xf32, #tpu.memory_space<vmem>>
    %dma_start3A_26 = arith.constant 0 : i32
    %dma_start3A_27 = tpu.memref_slice %arg8[%dma_start3A_22, %dma_start3A_26] : memref<4x128xi32, #tpu.memory_space<vmem>> -> memref<1x128xi32, #tpu.memory_space<vmem>>
    %dma_start3A_28 = tpu.memref_squeeze %dma_start3A_27 : memref<1x128xi32, #tpu.memory_space<vmem>> -> memref<128xi32, #tpu.memory_space<vmem>>
    %dma_start3A_29 = arith.constant 0 : i32
    %dma_start3A_30 = arith.constant 0 : i32
    %dma_start3A_31 = tpu.memref_slice %arg2[%dma_start3A_29, %dma_start3A_30] : memref<1000000x128xf32, #tpu.memory_space<hbm>> -> memref<1000000x128xf32, #tpu.memory_space<hbm>>
    tpu.enqueue_indirect_dma source(%dma_start3A_31 : memref<1000000x128xf32, #tpu.memory_space<hbm>>) target(%dma_start3A_25 : memref<128x128xf32, #tpu.memory_space<vmem>>) offsets(%dma_start3A_28 : memref<128xi32, #tpu.memory_space<vmem>>) semaphore(%arg10 : memref<!tpu.dma_semaphore, #tpu.memory_space<semaphore_mem>>)
    %dma_start3A_32 = arith.constant 3 : i32
    %dma_start3A_33 = arith.constant 384 : i32
    %dma_start3A_34 = arith.constant 0 : i32
    %dma_start3A_35 = tpu.memref_slice %arg9[%dma_start3A_33, %dma_start3A_34] : memref<512x128xf32, #tpu.memory_space<vmem>> -> memref<128x128xf32, #tpu.memory_space<vmem>>
    %dma_start3A_36 = arith.constant 0 : i32
    %dma_start3A_37 = tpu.memref_slice %arg8[%dma_start3A_32, %dma_start3A_36] : memref<4x128xi32, #tpu.memory_space<vmem>> -> memref<1x128xi32, #tpu.memory_space<vmem>>
    %dma_start3A_38 = tpu.memref_squeeze %dma_start3A_37 : memref<1x128xi32, #tpu.memory_space<vmem>> -> memref<128xi32, #tpu.memory_space<vmem>>
    %dma_start3A_39 = arith.constant 0 : i32
    %dma_start3A_40 = arith.constant 0 : i32
    %dma_start3A_41 = tpu.memref_slice %arg2[%dma_start3A_39, %dma_start3A_40] : memref<1000000x128xf32, #tpu.memory_space<hbm>> -> memref<1000000x128xf32, #tpu.memory_space<hbm>>
    tpu.enqueue_indirect_dma source(%dma_start3A_41 : memref<1000000x128xf32, #tpu.memory_space<hbm>>) target(%dma_start3A_35 : memref<128x128xf32, #tpu.memory_space<vmem>>) offsets(%dma_start3A_38 : memref<128xi32, #tpu.memory_space<vmem>>) semaphore(%arg10 : memref<!tpu.dma_semaphore, #tpu.memory_space<semaphore_mem>>)
    %dma_wait3A = arith.constant 0 : i32
    %dma_wait3A_42 = arith.constant 0 : i32
    %dma_wait3A_43 = arith.constant 0 : i32
    %dma_wait3A_44 = tpu.memref_slice %arg9[%dma_wait3A_42, %dma_wait3A_43] : memref<512x128xf32, #tpu.memory_space<vmem>> -> memref<128x128xf32, #tpu.memory_space<vmem>>
    %dma_wait3A_45 = arith.constant 0 : i32
    %dma_wait3A_46 = tpu.memref_slice %arg8[%dma_wait3A, %dma_wait3A_45] : memref<4x128xi32, #tpu.memory_space<vmem>> -> memref<1x128xi32, #tpu.memory_space<vmem>>
    %dma_wait3A_47 = tpu.memref_squeeze %dma_wait3A_46 : memref<1x128xi32, #tpu.memory_space<vmem>> -> memref<128xi32, #tpu.memory_space<vmem>>
    %dma_wait3A_48 = arith.constant 0 : i32
    %dma_wait3A_49 = arith.constant 0 : i32
    %dma_wait3A_50 = tpu.memref_slice %arg2[%dma_wait3A_48, %dma_wait3A_49] : memref<1000000x128xf32, #tpu.memory_space<hbm>> -> memref<1000000x128xf32, #tpu.memory_space<hbm>>
    tpu.wait_indirect_dma semaphore(%arg10 : memref<!tpu.dma_semaphore, #tpu.memory_space<semaphore_mem>>) src(%dma_wait3A_50 : memref<1000000x128xf32, #tpu.memory_space<hbm>>) dst(%dma_wait3A_44 : memref<128x128xf32, #tpu.memory_space<vmem>>)
    %dma_wait3A_51 = arith.constant 1 : i32
    %dma_wait3A_52 = arith.constant 128 : i32
    %dma_wait3A_53 = arith.constant 0 : i32
    %dma_wait3A_54 = tpu.memref_slice %arg9[%dma_wait3A_52, %dma_wait3A_53] : memref<512x128xf32, #tpu.memory_space<vmem>> -> memref<128x128xf32, #tpu.memory_space<vmem>>
    %dma_wait3A_55 = arith.constant 0 : i32
    %dma_wait3A_56 = tpu.memref_slice %arg8[%dma_wait3A_51, %dma_wait3A_55] : memref<4x128xi32, #tpu.memory_space<vmem>> -> memref<1x128xi32, #tpu.memory_space<vmem>>
    %dma_wait3A_57 = tpu.memref_squeeze %dma_wait3A_56 : memref<1x128xi32, #tpu.memory_space<vmem>> -> memref<128xi32, #tpu.memory_space<vmem>>
    %dma_wait3A_58 = arith.constant 0 : i32
    %dma_wait3A_59 = arith.constant 0 : i32
    %dma_wait3A_60 = tpu.memref_slice %arg2[%dma_wait3A_58, %dma_wait3A_59] : memref<1000000x128xf32, #tpu.memory_space<hbm>> -> memref<1000000x128xf32, #tpu.memory_space<hbm>>
    tpu.wait_indirect_dma semaphore(%arg10 : memref<!tpu.dma_semaphore, #tpu.memory_space<semaphore_mem>>) src(%dma_wait3A_60 : memref<1000000x128xf32, #tpu.memory_space<hbm>>) dst(%dma_wait3A_54 : memref<128x128xf32, #tpu.memory_space<vmem>>)
    %dma_wait3A_61 = arith.constant 2 : i32
    %dma_wait3A_62 = arith.constant 256 : i32
    %dma_wait3A_63 = arith.constant 0 : i32
    %dma_wait3A_64 = tpu.memref_slice %arg9[%dma_wait3A_62, %dma_wait3A_63] : memref<512x128xf32, #tpu.memory_space<vmem>> -> memref<128x128xf32, #tpu.memory_space<vmem>>
    %dma_wait3A_65 = arith.constant 0 : i32
    %dma_wait3A_66 = tpu.memref_slice %arg8[%dma_wait3A_61, %dma_wait3A_65] : memref<4x128xi32, #tpu.memory_space<vmem>> -> memref<1x128xi32, #tpu.memory_space<vmem>>
    %dma_wait3A_67 = tpu.memref_squeeze %dma_wait3A_66 : memref<1x128xi32, #tpu.memory_space<vmem>> -> memref<128xi32, #tpu.memory_space<vmem>>
    %dma_wait3A_68 = arith.constant 0 : i32
    %dma_wait3A_69 = arith.constant 0 : i32
    %dma_wait3A_70 = tpu.memref_slice %arg2[%dma_wait3A_68, %dma_wait3A_69] : memref<1000000x128xf32, #tpu.memory_space<hbm>> -> memref<1000000x128xf32, #tpu.memory_space<hbm>>
    tpu.wait_indirect_dma semaphore(%arg10 : memref<!tpu.dma_semaphore, #tpu.memory_space<semaphore_mem>>) src(%dma_wait3A_70 : memref<1000000x128xf32, #tpu.memory_space<hbm>>) dst(%dma_wait3A_64 : memref<128x128xf32, #tpu.memory_space<vmem>>)
    %dma_wait3A_71 = arith.constant 3 : i32
    %dma_wait3A_72 = arith.constant 384 : i32
    %dma_wait3A_73 = arith.constant 0 : i32
    %dma_wait3A_74 = tpu.memref_slice %arg9[%dma_wait3A_72, %dma_wait3A_73] : memref<512x128xf32, #tpu.memory_space<vmem>> -> memref<128x128xf32, #tpu.memory_space<vmem>>
    %dma_wait3A_75 = arith.constant 0 : i32
    %dma_wait3A_76 = tpu.memref_slice %arg8[%dma_wait3A_71, %dma_wait3A_75] : memref<4x128xi32, #tpu.memory_space<vmem>> -> memref<1x128xi32, #tpu.memory_space<vmem>>
    %dma_wait3A_77 = tpu.memref_squeeze %dma_wait3A_76 : memref<1x128xi32, #tpu.memory_space<vmem>> -> memref<128xi32, #tpu.memory_space<vmem>>
    %dma_wait3A_78 = arith.constant 0 : i32
    %dma_wait3A_79 = arith.constant 0 : i32
    %dma_wait3A_80 = tpu.memref_slice %arg2[%dma_wait3A_78, %dma_wait3A_79] : memref<1000000x128xf32, #tpu.memory_space<hbm>> -> memref<1000000x128xf32, #tpu.memory_space<hbm>>
    tpu.wait_indirect_dma semaphore(%arg10 : memref<!tpu.dma_semaphore, #tpu.memory_space<semaphore_mem>>) src(%dma_wait3A_80 : memref<1000000x128xf32, #tpu.memory_space<hbm>>) dst(%dma_wait3A_74 : memref<128x128xf32, #tpu.memory_space<vmem>>)
    "tpu.region"() ({
      %run_scoped3A = tpu.sem_alloc : memref<!tpu.dma_semaphore, #tpu.memory_space<semaphore_mem>>
      %dma_start3A_161 = arith.constant 0 : i32
      %dma_start3A_162 = tpu.memref_slice %arg6[%mul3A_2, %dma_start3A_161] : memref<16384x128xf32, #tpu.memory_space<hbm>> -> memref<512x128xf32, #tpu.memory_space<hbm>>
      %dma_start3A_163 = arith.constant 0 : i32
      %dma_start3A_164 = tpu.memref_slice %arg6[%mul3A_2, %dma_start3A_163] : memref<16384x128xf32, #tpu.memory_space<hbm>> -> memref<512x128xf32, #tpu.memory_space<hbm>>
      tpu.enqueue_dma source(%arg9 : memref<512x128xf32, #tpu.memory_space<vmem>>) target(%dma_start3A_164 : memref<512x128xf32, #tpu.memory_space<hbm>>) target_semaphore(%run_scoped3A : memref<!tpu.dma_semaphore, #tpu.memory_space<semaphore_mem>>)
      %dma_wait3A_165 = arith.constant 0 : i32
      %dma_wait3A_166 = tpu.memref_slice %arg6[%mul3A_2, %dma_wait3A_165] : memref<16384x128xf32, #tpu.memory_space<hbm>> -> memref<512x128xf32, #tpu.memory_space<hbm>>
      %dma_wait3A_167 = arith.constant 0 : i32
      %dma_wait3A_168 = tpu.memref_slice %arg6[%mul3A_2, %dma_wait3A_167] : memref<16384x128xf32, #tpu.memory_space<hbm>> -> memref<512x128xf32, #tpu.memory_space<hbm>>
      tpu.wait_dma2 semaphore(%run_scoped3A : memref<!tpu.dma_semaphore, #tpu.memory_space<semaphore_mem>>) src(%arg9 : memref<512x128xf32, #tpu.memory_space<vmem>>) dst(%dma_wait3A_168 : memref<512x128xf32, #tpu.memory_space<hbm>>)
      tpu.yield
    }) : () -> ()
    "tpu.region"() ({
      %run_scoped3A = tpu.sem_alloc : memref<!tpu.dma_semaphore, #tpu.memory_space<semaphore_mem>>
      %dma_start3A_161 = arith.constant 0 : i32
      %dma_start3A_162 = arith.constant 0 : i32
      %dma_start3A_163 = tpu.memref_slice %arg5[%add3A, %dma_start3A_161, %dma_start3A_162] : memref<32x4x128xi32, #tpu.memory_space<hbm>> -> memref<1x4x128xi32, #tpu.memory_space<hbm>>
      %dma_start3A_164 = tpu.memref_squeeze %dma_start3A_163 : memref<1x4x128xi32, #tpu.memory_space<hbm>> -> memref<4x128xi32, #tpu.memory_space<hbm>>
      %dma_start3A_165 = arith.constant 0 : i32
      %dma_start3A_166 = arith.constant 0 : i32
      %dma_start3A_167 = tpu.memref_slice %arg5[%add3A, %dma_start3A_165, %dma_start3A_166] : memref<32x4x128xi32, #tpu.memory_space<hbm>> -> memref<1x4x128xi32, #tpu.memory_space<hbm>>
      %dma_start3A_168 = tpu.memref_squeeze %dma_start3A_167 : memref<1x4x128xi32, #tpu.memory_space<hbm>> -> memref<4x128xi32, #tpu.memory_space<hbm>>
      tpu.enqueue_dma source(%dma_start3A_168 : memref<4x128xi32, #tpu.memory_space<hbm>>) target(%arg8 : memref<4x128xi32, #tpu.memory_space<vmem>>) target_semaphore(%run_scoped3A : memref<!tpu.dma_semaphore, #tpu.memory_space<semaphore_mem>>)
      %dma_wait3A_169 = arith.constant 0 : i32
      %dma_wait3A_170 = arith.constant 0 : i32
      %dma_wait3A_171 = tpu.memref_slice %arg5[%add3A, %dma_wait3A_169, %dma_wait3A_170] : memref<32x4x128xi32, #tpu.memory_space<hbm>> -> memref<1x4x128xi32, #tpu.memory_space<hbm>>
      %dma_wait3A_172 = tpu.memref_squeeze %dma_wait3A_171 : memref<1x4x128xi32, #tpu.memory_space<hbm>> -> memref<4x128xi32, #tpu.memory_space<hbm>>
      %dma_wait3A_173 = arith.constant 0 : i32
      %dma_wait3A_174 = arith.constant 0 : i32
      %dma_wait3A_175 = tpu.memref_slice %arg5[%add3A, %dma_wait3A_173, %dma_wait3A_174] : memref<32x4x128xi32, #tpu.memory_space<hbm>> -> memref<1x4x128xi32, #tpu.memory_space<hbm>>
      %dma_wait3A_176 = tpu.memref_squeeze %dma_wait3A_175 : memref<1x4x128xi32, #tpu.memory_space<hbm>> -> memref<4x128xi32, #tpu.memory_space<hbm>>
      tpu.wait_dma2 semaphore(%run_scoped3A : memref<!tpu.dma_semaphore, #tpu.memory_space<semaphore_mem>>) src(%dma_wait3A_176 : memref<4x128xi32, #tpu.memory_space<hbm>>) dst(%arg8 : memref<4x128xi32, #tpu.memory_space<vmem>>)
      tpu.yield
    }) : () -> ()
    %dma_start3A_81 = arith.constant 0 : i32
    %dma_start3A_82 = arith.constant 0 : i32
    %dma_start3A_83 = arith.constant 0 : i32
    %dma_start3A_84 = tpu.memref_slice %arg9[%dma_start3A_82, %dma_start3A_83] : memref<512x128xf32, #tpu.memory_space<vmem>> -> memref<128x128xf32, #tpu.memory_space<vmem>>
    %dma_start3A_85 = arith.constant 0 : i32
    %dma_start3A_86 = tpu.memref_slice %arg8[%dma_start3A_81, %dma_start3A_85] : memref<4x128xi32, #tpu.memory_space<vmem>> -> memref<1x128xi32, #tpu.memory_space<vmem>>
    %dma_start3A_87 = tpu.memref_squeeze %dma_start3A_86 : memref<1x128xi32, #tpu.memory_space<vmem>> -> memref<128xi32, #tpu.memory_space<vmem>>
    %dma_start3A_88 = arith.constant 0 : i32
    %dma_start3A_89 = arith.constant 0 : i32
    %dma_start3A_90 = tpu.memref_slice %arg3[%dma_start3A_88, %dma_start3A_89] : memref<100000x128xf32, #tpu.memory_space<hbm>> -> memref<100000x128xf32, #tpu.memory_space<hbm>>
    tpu.enqueue_indirect_dma source(%dma_start3A_90 : memref<100000x128xf32, #tpu.memory_space<hbm>>) target(%dma_start3A_84 : memref<128x128xf32, #tpu.memory_space<vmem>>) offsets(%dma_start3A_87 : memref<128xi32, #tpu.memory_space<vmem>>) semaphore(%arg10 : memref<!tpu.dma_semaphore, #tpu.memory_space<semaphore_mem>>)
    %dma_start3A_91 = arith.constant 1 : i32
    %dma_start3A_92 = arith.constant 128 : i32
    %dma_start3A_93 = arith.constant 0 : i32
    %dma_start3A_94 = tpu.memref_slice %arg9[%dma_start3A_92, %dma_start3A_93] : memref<512x128xf32, #tpu.memory_space<vmem>> -> memref<128x128xf32, #tpu.memory_space<vmem>>
    %dma_start3A_95 = arith.constant 0 : i32
    %dma_start3A_96 = tpu.memref_slice %arg8[%dma_start3A_91, %dma_start3A_95] : memref<4x128xi32, #tpu.memory_space<vmem>> -> memref<1x128xi32, #tpu.memory_space<vmem>>
    %dma_start3A_97 = tpu.memref_squeeze %dma_start3A_96 : memref<1x128xi32, #tpu.memory_space<vmem>> -> memref<128xi32, #tpu.memory_space<vmem>>
    %dma_start3A_98 = arith.constant 0 : i32
    %dma_start3A_99 = arith.constant 0 : i32
    %dma_start3A_100 = tpu.memref_slice %arg3[%dma_start3A_98, %dma_start3A_99] : memref<100000x128xf32, #tpu.memory_space<hbm>> -> memref<100000x128xf32, #tpu.memory_space<hbm>>
    tpu.enqueue_indirect_dma source(%dma_start3A_100 : memref<100000x128xf32, #tpu.memory_space<hbm>>) target(%dma_start3A_94 : memref<128x128xf32, #tpu.memory_space<vmem>>) offsets(%dma_start3A_97 : memref<128xi32, #tpu.memory_space<vmem>>) semaphore(%arg10 : memref<!tpu.dma_semaphore, #tpu.memory_space<semaphore_mem>>)
    %dma_start3A_101 = arith.constant 2 : i32
    %dma_start3A_102 = arith.constant 256 : i32
    %dma_start3A_103 = arith.constant 0 : i32
    %dma_start3A_104 = tpu.memref_slice %arg9[%dma_start3A_102, %dma_start3A_103] : memref<512x128xf32, #tpu.memory_space<vmem>> -> memref<128x128xf32, #tpu.memory_space<vmem>>
    %dma_start3A_105 = arith.constant 0 : i32
    %dma_start3A_106 = tpu.memref_slice %arg8[%dma_start3A_101, %dma_start3A_105] : memref<4x128xi32, #tpu.memory_space<vmem>> -> memref<1x128xi32, #tpu.memory_space<vmem>>
    %dma_start3A_107 = tpu.memref_squeeze %dma_start3A_106 : memref<1x128xi32, #tpu.memory_space<vmem>> -> memref<128xi32, #tpu.memory_space<vmem>>
    %dma_start3A_108 = arith.constant 0 : i32
    %dma_start3A_109 = arith.constant 0 : i32
    %dma_start3A_110 = tpu.memref_slice %arg3[%dma_start3A_108, %dma_start3A_109] : memref<100000x128xf32, #tpu.memory_space<hbm>> -> memref<100000x128xf32, #tpu.memory_space<hbm>>
    tpu.enqueue_indirect_dma source(%dma_start3A_110 : memref<100000x128xf32, #tpu.memory_space<hbm>>) target(%dma_start3A_104 : memref<128x128xf32, #tpu.memory_space<vmem>>) offsets(%dma_start3A_107 : memref<128xi32, #tpu.memory_space<vmem>>) semaphore(%arg10 : memref<!tpu.dma_semaphore, #tpu.memory_space<semaphore_mem>>)
    %dma_start3A_111 = arith.constant 3 : i32
    %dma_start3A_112 = arith.constant 384 : i32
    %dma_start3A_113 = arith.constant 0 : i32
    %dma_start3A_114 = tpu.memref_slice %arg9[%dma_start3A_112, %dma_start3A_113] : memref<512x128xf32, #tpu.memory_space<vmem>> -> memref<128x128xf32, #tpu.memory_space<vmem>>
    %dma_start3A_115 = arith.constant 0 : i32
    %dma_start3A_116 = tpu.memref_slice %arg8[%dma_start3A_111, %dma_start3A_115] : memref<4x128xi32, #tpu.memory_space<vmem>> -> memref<1x128xi32, #tpu.memory_space<vmem>>
    %dma_start3A_117 = tpu.memref_squeeze %dma_start3A_116 : memref<1x128xi32, #tpu.memory_space<vmem>> -> memref<128xi32, #tpu.memory_space<vmem>>
    %dma_start3A_118 = arith.constant 0 : i32
    %dma_start3A_119 = arith.constant 0 : i32
    %dma_start3A_120 = tpu.memref_slice %arg3[%dma_start3A_118, %dma_start3A_119] : memref<100000x128xf32, #tpu.memory_space<hbm>> -> memref<100000x128xf32, #tpu.memory_space<hbm>>
    tpu.enqueue_indirect_dma source(%dma_start3A_120 : memref<100000x128xf32, #tpu.memory_space<hbm>>) target(%dma_start3A_114 : memref<128x128xf32, #tpu.memory_space<vmem>>) offsets(%dma_start3A_117 : memref<128xi32, #tpu.memory_space<vmem>>) semaphore(%arg10 : memref<!tpu.dma_semaphore, #tpu.memory_space<semaphore_mem>>)
    %dma_wait3A_121 = arith.constant 0 : i32
    %dma_wait3A_122 = arith.constant 0 : i32
    %dma_wait3A_123 = arith.constant 0 : i32
    %dma_wait3A_124 = tpu.memref_slice %arg9[%dma_wait3A_122, %dma_wait3A_123] : memref<512x128xf32, #tpu.memory_space<vmem>> -> memref<128x128xf32, #tpu.memory_space<vmem>>
    %dma_wait3A_125 = arith.constant 0 : i32
    %dma_wait3A_126 = tpu.memref_slice %arg8[%dma_wait3A_121, %dma_wait3A_125] : memref<4x128xi32, #tpu.memory_space<vmem>> -> memref<1x128xi32, #tpu.memory_space<vmem>>
    %dma_wait3A_127 = tpu.memref_squeeze %dma_wait3A_126 : memref<1x128xi32, #tpu.memory_space<vmem>> -> memref<128xi32, #tpu.memory_space<vmem>>
    %dma_wait3A_128 = arith.constant 0 : i32
    %dma_wait3A_129 = arith.constant 0 : i32
    %dma_wait3A_130 = tpu.memref_slice %arg3[%dma_wait3A_128, %dma_wait3A_129] : memref<100000x128xf32, #tpu.memory_space<hbm>> -> memref<100000x128xf32, #tpu.memory_space<hbm>>
    tpu.wait_indirect_dma semaphore(%arg10 : memref<!tpu.dma_semaphore, #tpu.memory_space<semaphore_mem>>) src(%dma_wait3A_130 : memref<100000x128xf32, #tpu.memory_space<hbm>>) dst(%dma_wait3A_124 : memref<128x128xf32, #tpu.memory_space<vmem>>)
    %dma_wait3A_131 = arith.constant 1 : i32
    %dma_wait3A_132 = arith.constant 128 : i32
    %dma_wait3A_133 = arith.constant 0 : i32
    %dma_wait3A_134 = tpu.memref_slice %arg9[%dma_wait3A_132, %dma_wait3A_133] : memref<512x128xf32, #tpu.memory_space<vmem>> -> memref<128x128xf32, #tpu.memory_space<vmem>>
    %dma_wait3A_135 = arith.constant 0 : i32
    %dma_wait3A_136 = tpu.memref_slice %arg8[%dma_wait3A_131, %dma_wait3A_135] : memref<4x128xi32, #tpu.memory_space<vmem>> -> memref<1x128xi32, #tpu.memory_space<vmem>>
    %dma_wait3A_137 = tpu.memref_squeeze %dma_wait3A_136 : memref<1x128xi32, #tpu.memory_space<vmem>> -> memref<128xi32, #tpu.memory_space<vmem>>
    %dma_wait3A_138 = arith.constant 0 : i32
    %dma_wait3A_139 = arith.constant 0 : i32
    %dma_wait3A_140 = tpu.memref_slice %arg3[%dma_wait3A_138, %dma_wait3A_139] : memref<100000x128xf32, #tpu.memory_space<hbm>> -> memref<100000x128xf32, #tpu.memory_space<hbm>>
    tpu.wait_indirect_dma semaphore(%arg10 : memref<!tpu.dma_semaphore, #tpu.memory_space<semaphore_mem>>) src(%dma_wait3A_140 : memref<100000x128xf32, #tpu.memory_space<hbm>>) dst(%dma_wait3A_134 : memref<128x128xf32, #tpu.memory_space<vmem>>)
    %dma_wait3A_141 = arith.constant 2 : i32
    %dma_wait3A_142 = arith.constant 256 : i32
    %dma_wait3A_143 = arith.constant 0 : i32
    %dma_wait3A_144 = tpu.memref_slice %arg9[%dma_wait3A_142, %dma_wait3A_143] : memref<512x128xf32, #tpu.memory_space<vmem>> -> memref<128x128xf32, #tpu.memory_space<vmem>>
    %dma_wait3A_145 = arith.constant 0 : i32
    %dma_wait3A_146 = tpu.memref_slice %arg8[%dma_wait3A_141, %dma_wait3A_145] : memref<4x128xi32, #tpu.memory_space<vmem>> -> memref<1x128xi32, #tpu.memory_space<vmem>>
    %dma_wait3A_147 = tpu.memref_squeeze %dma_wait3A_146 : memref<1x128xi32, #tpu.memory_space<vmem>> -> memref<128xi32, #tpu.memory_space<vmem>>
    %dma_wait3A_148 = arith.constant 0 : i32
    %dma_wait3A_149 = arith.constant 0 : i32
    %dma_wait3A_150 = tpu.memref_slice %arg3[%dma_wait3A_148, %dma_wait3A_149] : memref<100000x128xf32, #tpu.memory_space<hbm>> -> memref<100000x128xf32, #tpu.memory_space<hbm>>
    tpu.wait_indirect_dma semaphore(%arg10 : memref<!tpu.dma_semaphore, #tpu.memory_space<semaphore_mem>>) src(%dma_wait3A_150 : memref<100000x128xf32, #tpu.memory_space<hbm>>) dst(%dma_wait3A_144 : memref<128x128xf32, #tpu.memory_space<vmem>>)
    %dma_wait3A_151 = arith.constant 3 : i32
    %dma_wait3A_152 = arith.constant 384 : i32
    %dma_wait3A_153 = arith.constant 0 : i32
    %dma_wait3A_154 = tpu.memref_slice %arg9[%dma_wait3A_152, %dma_wait3A_153] : memref<512x128xf32, #tpu.memory_space<vmem>> -> memref<128x128xf32, #tpu.memory_space<vmem>>
    %dma_wait3A_155 = arith.constant 0 : i32
    %dma_wait3A_156 = tpu.memref_slice %arg8[%dma_wait3A_151, %dma_wait3A_155] : memref<4x128xi32, #tpu.memory_space<vmem>> -> memref<1x128xi32, #tpu.memory_space<vmem>>
    %dma_wait3A_157 = tpu.memref_squeeze %dma_wait3A_156 : memref<1x128xi32, #tpu.memory_space<vmem>> -> memref<128xi32, #tpu.memory_space<vmem>>
    %dma_wait3A_158 = arith.constant 0 : i32
    %dma_wait3A_159 = arith.constant 0 : i32
    %dma_wait3A_160 = tpu.memref_slice %arg3[%dma_wait3A_158, %dma_wait3A_159] : memref<100000x128xf32, #tpu.memory_space<hbm>> -> memref<100000x128xf32, #tpu.memory_space<hbm>>
    tpu.wait_indirect_dma semaphore(%arg10 : memref<!tpu.dma_semaphore, #tpu.memory_space<semaphore_mem>>) src(%dma_wait3A_160 : memref<100000x128xf32, #tpu.memory_space<hbm>>) dst(%dma_wait3A_154 : memref<128x128xf32, #tpu.memory_space<vmem>>)
    "tpu.region"() ({
      %run_scoped3A = tpu.sem_alloc : memref<!tpu.dma_semaphore, #tpu.memory_space<semaphore_mem>>
      %dma_start3A_161 = arith.constant 0 : i32
      %dma_start3A_162 = tpu.memref_slice %arg7[%mul3A_2, %dma_start3A_161] : memref<16384x128xf32, #tpu.memory_space<hbm>> -> memref<512x128xf32, #tpu.memory_space<hbm>>
      %dma_start3A_163 = arith.constant 0 : i32
      %dma_start3A_164 = tpu.memref_slice %arg7[%mul3A_2, %dma_start3A_163] : memref<16384x128xf32, #tpu.memory_space<hbm>> -> memref<512x128xf32, #tpu.memory_space<hbm>>
      tpu.enqueue_dma source(%arg9 : memref<512x128xf32, #tpu.memory_space<vmem>>) target(%dma_start3A_164 : memref<512x128xf32, #tpu.memory_space<hbm>>) target_semaphore(%run_scoped3A : memref<!tpu.dma_semaphore, #tpu.memory_space<semaphore_mem>>)
      %dma_wait3A_165 = arith.constant 0 : i32
      %dma_wait3A_166 = tpu.memref_slice %arg7[%mul3A_2, %dma_wait3A_165] : memref<16384x128xf32, #tpu.memory_space<hbm>> -> memref<512x128xf32, #tpu.memory_space<hbm>>
      %dma_wait3A_167 = arith.constant 0 : i32
      %dma_wait3A_168 = tpu.memref_slice %arg7[%mul3A_2, %dma_wait3A_167] : memref<16384x128xf32, #tpu.memory_space<hbm>> -> memref<512x128xf32, #tpu.memory_space<hbm>>
      tpu.wait_dma2 semaphore(%run_scoped3A : memref<!tpu.dma_semaphore, #tpu.memory_space<semaphore_mem>>) src(%arg9 : memref<512x128xf32, #tpu.memory_space<vmem>>) dst(%dma_wait3A_168 : memref<512x128xf32, #tpu.memory_space<hbm>>)
      tpu.yield
    }) : () -> ()
    return
  }
}

</mosaic_0001>

<sc_bundles>
// kernel: kernel.3.cloned.1.call-start
scs
__scs_entry_jumppad:
0x0: {  	(pc) =	sbr.rel $0x88, $3  }
0x1: {  	(tag) =	ssettag $0x0;
	lr =	simm.s32 $0x1  }
0x2: {  	[smem:$0x3F9D] =	sst lr;
	_ =	strace $0xD0000000  }
0x3: {  	_ = 	snop  }
0x4: {  	_ = 	snop  }
0x5: {  	_ = 	snop  }
0x6: {  	_ = 	snop  }
0x7: {  	_ = 	snop  }
__scs_overlays_trampoline_lowered:
0x8: {  	[smem:$0x3FAC] =	sst s0  }
0x9: {  	[smem:$0x3FAD] =	sst s1  }
0xa: {  	[smem:$0x3FAE] =	sst s2  }
0xb: {  	[smem:$0x3FAF] =	sst s3  }
0xc: {  	[smem:$0x3FB0] =	sst s4  }
0xd: {  	[smem:$0x3FB1] =	sst s5  }
0xe: {  	[smem:$0x3FB2] =	sst s6  }
0xf: {  	[smem:$0x3FB3] =	sst s7  }
0x10: {  	[smem:$0x3FB4] =	sst s8  }
0x11: {  	[smem:$0x3FB5] =	sst s9;
	s0 =	simm.s32 @!p0 $0x0  }
0x12: {  	s1 =	sld [smem:$0x3F9B];
	s0 =	simm.s32 @p0 $0x1  }
0x13: {  	[smem:$0x3FB6] =	sst s0;
	s0 =	simm.s32 @!p1 $0x0  }
0x14: {  	s2 =	sld [smem:$0x3F9A];
	s0 =	simm.s32 @p1 $0x1  }
0x15: {  	[smem:$0x3FB7] =	sst s0;
	s0 =	simm.s32 @!p2 $0x0  }
0x16: {  	s3 =	sld [smem:$0x3FDB];
	s0 =	simm.s32 @p2 $0x1  }
0x17: {  	s4 =	simm.s32 $0x1BF5;
	[smem:$0x3FB9] =	sst s0  }
0x18: {  	s0 =	sld [smem:$0x3F9C];
	_ =	swait.ge [sflag:s4], $0x0  }
0x19: {  	s7 =	sld [smem:$0x3F9D]  }
0x1a: {  	s8 =	sadd.s32 $0xFFFFE003, lr  }
0x1b: {  	s9 =	sadd.s32 $0xFFFFFEF7, lr;
	s5 =	simm.s32 $0xFFFFFFFF;
	p2 =	slt.u32 s8, $0xFFFFF086  }
0x1c: {  	p1 =	slt.u32 s9, $0xF7A;
	s5 =	simm.s32 @!p2 $0x0  }
0x1d: {  	s5 =	simm.s32 @p1 $0x1;
	p0 =	seq.s32 s7, s2  }
0x1e: {  	s7 =	smul.u32 @!p0 $0xF7A, s2;
	p2 =	seq.s32 @!p0 s5, $0x0  }
0x1f: {  	s9 =	smul.u32 $0xF7A, s1;
	s8 =	simm.s32 @!p0 $0x1BF5;
	p2 =	por !p2, p0  }
0x20: {  	[sflag:s8] =	ssyncset.s32 @!p0 $0xFFFFF086;
	s6 =	sadd.s32 @!p0 s3, s7;
	s7 =	simm.s32 @!p0 $0x108  }
0x21: {  	s3 =	sadd.s32 s3, s9;
	s6 =	sadd.s32 @!p0 $0x88, s6;
	s7 =	simm.s32 @p2 $0x1082  }
0x22: {  	[simem:s7], [sflag:s8] =	dma.local @!p0 [hbm:s6], $0xF7A  }
0x23: {  	s9 =	sor.u32 $0xD0000000, s2;
	s6 =	simm.s32 $0x108;
	_ =	swait.ge @!p0 [sflag:s8], $0x0  }
0x24: {  	s3 =	sadd.s32 $0x88, s3;
	s6 =	simm.s32 @!p1 $0x1082;
	[sflag:s4] =	ssyncset.s32 $0xFFFFF086  }
0x25: {  	[simem:s6], [sflag:s4] =	dma.local [hbm:s3], $0xF7A  }
0x26: {  	[smem:$0x3F9D] =	sst s1;
	(tag) =	ssettag s2;
	_ =	strace s9  }
0x27: {  	s1 =	sld [smem:$0x3FAD]  }
0x28: {  	s2 =	sld [smem:$0x3FAE]  }
0x29: {  	s4 =	sld [smem:$0x3FB0]  }
0x2a: {  	p0 =	seq.s32 s5, $0x0;
	s5 =	sld [smem:$0x3FB1]  }
0x2b: {  	s6 =	sld [smem:$0x3FB2]  }
0x2c: {  	s7 =	sld [smem:$0x3FB3]  }
0x2d: {  	s3 =	simm.s32 $0x108;
	s8 =	sld [smem:$0x3FB4]  }
0x2e: {  	s3 =	simm.s32 @!p0 $0x1082;
	s9 =	sld [smem:$0x3FB5]  }
0x2f: {  	lr =	sadd.s32 s0, s3;
	s0 =	sld [smem:$0x3FAC]  }
0x30: {  	s3 =	sld [smem:$0x3FAF]  }
0x31: {  	[smem:$0x3FB8] =	sst s10  }
0x32: {  	s10 =	sld [smem:$0x3FB6];
	_ =	sdelay $0x3  }
0x33: {  	p0 =	seq.s32 s10, $0x1;
	s10 =	sld [smem:$0x3FB8];
	_ =	sdelay $0x3  }
0x34: {  	[smem:$0x3FB8] =	sst s10  }
0x35: {  	s10 =	sld [smem:$0x3FB7];
	_ =	sdelay $0x3  }
0x36: {  	p1 =	seq.s32 s10, $0x1;
	s10 =	sld [smem:$0x3FB8];
	_ =	sdelay $0x3  }
0x37: {  	[smem:$0x3FB8] =	sst s10  }
0x38: {  	s10 =	sld [smem:$0x3FB9]  }
0x39: {  	_ = 	snop;
	(pc) =	sbr.ind lr, $3  }
0x3a: {  	_ = 	snop  }
0x3b: {  	_ = 	snop  }
0x3c: {  	p2 =	seq.s32 s10, $0x1;
	s10 =	sld [smem:$0x3FB8]  }
0x3d: {  	_ =	shalt  }
0x3e: {  	_ =	shalt  }
0x3f: {  	_ =	shalt  }
0x40: {  	_ =	shalt  }
0x41: {  	_ =	shalt  }
0x42: {  	_ =	shalt  }
0x43: {  	_ =	shalt  }
0x44: {  	_ =	shalt  }
0x45: {  	_ =	shalt  }
0x46: {  	_ =	shalt  }
0x47: {  	_ =	shalt  }
0x48: {  	_ =	shalt  }
0x49: {  	_ =	shalt  }
0x4a: {  	_ =	shalt  }
0x4b: {  	_ =	shalt  }
0x4c: {  	_ =	shalt  }
0x4d: {  	_ =	shalt  }
0x4e: {  	_ =	shalt  }
0x4f: {  	_ =	shalt  }
0x50: {  	_ =	shalt  }
0x51: {  	_ =	shalt  }
0x52: {  	_ =	shalt  }
0x53: {  	_ =	shalt  }
0x54: {  	_ =	shalt  }
0x55: {  	_ =	shalt  }
0x56: {  	_ =	shalt  }
0x57: {  	_ =	shalt  }
0x58: {  	_ =	shalt  }
0x59: {  	_ =	shalt  }
0x5a: {  	_ =	shalt  }
0x5b: {  	_ =	shalt  }
0x5c: {  	_ =	shalt  }
0x5d: {  	_ =	shalt  }
0x5e: {  	_ =	shalt  }
0x5f: {  	_ =	shalt  }
0x60: {  	_ =	shalt  }
0x61: {  	_ =	shalt  }
0x62: {  	_ =	shalt  }
0x63: {  	_ =	shalt  }
0x64: {  	_ =	shalt  }
0x65: {  	_ =	shalt  }
0x66: {  	_ =	shalt  }
0x67: {  	_ =	shalt  }
0x68: {  	_ =	shalt  }
0x69: {  	_ =	shalt  }
0x6a: {  	_ =	shalt  }
0x6b: {  	_ =	shalt  }
0x6c: {  	_ =	shalt  }
0x6d: {  	_ =	shalt  }
0x6e: {  	_ =	shalt  }
0x6f: {  	_ =	shalt  }
0x70: {  	_ =	shalt  }
0x71: {  	_ =	shalt  }
0x72: {  	_ =	shalt  }
0x73: {  	_ =	shalt  }
0x74: {  	_ =	shalt  }
0x75: {  	_ =	shalt  }
0x76: {  	_ =	shalt  }
0x77: {  	_ =	shalt  }
0x78: {  	_ =	shalt  }
0x79: {  	_ =	shalt  }
0x7a: {  	_ =	shalt  }
0x7b: {  	_ =	shalt  }
0x7c: {  	_ =	shalt  }
0x7d: {  	_ =	shalt  }
0x7e: {  	_ =	shalt  }
0x7f: {  	_ =	shalt  }
0x80: {  	_ =	shalt  }
0x81: {  	_ =	shalt  }
0x82: {  	_ =	shalt  }
0x83: {  	_ =	shalt  }
0x84: {  	_ =	shalt  }
0x85: {  	_ =	shalt  }
0x86: {  	_ =	shalt  }
0x87: {  	_ =	shalt  }
.Lfunc_end0:
.L_simem_size_0:
called_computation_lowered:
.L_overlay_start_0:
0x88: {  	s2 =	sld [smem:$0x3FD9]  }
0x89: {  	s3 =	sld [smem:$0x3FFE];
	_ =	sdelay $0x1  }
0x8a: {  	s1 =	srdreg.scid  }
0x8b: {  	s0 =	sand.u32 $0x1, s1  }
0x8c: {  	s14 =	sshll.u32 s0, $0xA;
	s2 =	sadd.s32 s3, s2  }
0x8d: {  	s2 =	sadd.s32 s2, s14  }
0x8e: {  	[smem:$0x3FC4] =	sst s2  }
0x8f: {  	_ = 	snop  }
0x90: {  	s2 =	sld [smem:$0x3FD0];
	_ =	sdelay $0x1  }
0x91: {  	s15 =	sld [smem:$0x3FC7]  }
0x92: {  	s5 =	simm.s32 $0xA;
	s6 =	simm.s32 $0x10;
	s4 =	sld [smem:$0x3FC6]  }
0x93: {  	[smem:s6], [sflag:s5] =	dma.local [hbm:s2], $0x1  }
0x94: {  	_ =	swait.eq [sflag:s5], $0x1  }
0x95: {  	[sflag:s5] =	ssyncset.done $0x0  }
0x96: {  	[sflag:s5] =	ssyncadd.s32 $0xFFFFFFFF  }
0x97: {  	s16 =	sld [smem:$0x10];
	(tm) =	ssettm $0x1  }
0x98: {  	s17 =	sld [smem:$0x3FFB];
	_ =	sdelay $0x3  }
0x99: {  	_ =	strace s17  }
0x9a: {  	s5 =	sld [smem:$0x3FFC];
	_ =	sdelay $0x3  }
0x9b: {  	_ =	strace s5  }
0x9c: {  	s5 =	sld [smem:$0x3FFD];
	_ =	sdelay $0x3  }
0x9d: {  	_ =	strace s5  }
0x9e: {  	_ =	strace $0x8FFFFFFF  }
0x9f: {  	s18 =	sld [smem:$0x3FDB];
	_ =	sdelay $0x1  }
0xa0: {  	s19 =	simm.s32 $_scs_section_size  }
0xa1: {  	s7 =	simm.s32 $_size__tile_overlayer_lowered;
	s8 =	simm.s32 $_tile_overlayer_lowered  }
0xa2: {  	s22 =	simm.s32 $0x1BFF;
	s21 =	sshll.u32 s8, $0x1;
	s5 =	sadd.s32 s19, s18  }
0xa3: {  	s9 =	simm.s32 $0x0;
	s20 =	sshll.u32 s7, $0x1;
	s7 =	sadd.s32 s21, s5  }
0xa4: {  	[timem:s9], [sflag:s22] =	dma.local [hbm:s7], s20  }
0xa5: {  	_ =	swait.ge [sflag:s22], s20  }
0xa6: {  	s6 =	ssub.s32 $0x0, s20;
	[sflag:s22] =	ssyncset.done $0x0  }
0xa7: {  	[sflag:s22] =	ssyncadd.s32 s6;
	_ =	sdelay $0x1  }
0xa8: {  	s23 =	simm.s32 $0x1B8B  }
0xa9: {  	_ =	swait.ge [sflag:s23], $0x1  }
0xaa: {  	[sflag:s23] =	ssyncset.done $0x0  }
0xab: {  	s25 =	simm.s32 $0x1B8E;
	s24 =	sld [smem:$0x3FFE];
	[sflag:s23] =	ssyncadd.s32 $0xFFFFFFFF  }
0xac: {  	s26 =	simm.s32 $execute0_lowered;
	[smem:$0x3FD2] =	sst s25  }
0xad: {  	s7 =	sshll.u32 s26, $0x1;
	_ =	strace $0x80000046;
	[dreg:$0x1] =	wrdreg $0xFFFFFFFF  }
0xae: {  	s28 =	simm.s32 $_size_execute0_lowered;
	s5 =	sadd.s32 s5, s7;
	[dreg:$0x0] =	wrdreg $0x0  }
0xaf: {  	s7 =	sshll.u32 s28, $0x1;
	[dreg:$0x2] =	wrdreg s5  }
0xb0: {  	[dreg:$0x3] =	wrdreg s7  }
0xb1: {  	[dreg:$0x4] =	wrdreg $0xC0  }
0xb2: {  	_ =	task [dreg:s9], $0x5FFFF  }
0xb3: {  	[dreg:$0x1] =	wrdreg $0xFFFFFFFF  }
0xb4: {  	[dreg:$0x0] =	wrdreg $0x60  }
0xb5: {  	[dreg:$0x2] =	wrdreg s15  }
0xb6: {  	[dreg:$0x3] =	wrdreg s4  }
0xb7: {  	[dreg:$0x4] =	wrdreg s24  }
0xb8: {  	[dreg:$0x5] =	wrdreg s16  }
0xb9: {  	[dreg:$0x6] =	wrdreg $0x9  }
0xba: {  	_ =	task.clear_ibuf [dreg:s9], $0x7FFFF;
	_ =	strace $0x90000046  }
0xbb: {  	s29 =	simm.s32 $0x9;
	_ =	strace $0x80000048  }
0xbc: {  	_ =	swait.ge [sflag:s29], $0x1  }
0xbd: {  	[sflag:s29] =	ssyncadd.s32 $0xFFFFFFFF  }
0xbe: {  	_ =	strace $0x90000048  }
0xbf: {  	_ =	sfence  }
0xc0: {  	s30 =	sld [smem:$0x0];
	_ =	sdelay $0x2  }
0xc1: {  	s31 =	sshll.u32 s1, $0xD;
	s1 =	sshrl.u32 s1, $0x2  }
0xc2: {  	s3 =	sand.u32 $0x4000, s31;
	s1 =	sadd.s32 s1, s30  }
0xc3: {  	s0 =	sor.u32 s3, s0;
	s1 =	sshll.u32 s1, $0x11  }
0xc4: {  	s0 =	sor.u32 s1, s0  }
0xc5: {  	s0 =	sadd.s32 $0x8F2B, s0  }
0xc6: {  	[sflag:s0] =	ssyncadd.remote.s32 $0x1  }
0xc7: {  	_ =	sfence.sel $0xFFFF  }
0xc8: {  	[dreg:$0x0] =	wrdreg $0xFFFFFFFF;
	(pc) =	sbr.abs _section_cstart, $3  }
0xc9: {  	[dreg:$0x1] =	wrdreg $0xFFFFFFFF  }
0xca: {  	_ =	task.clear_ibuf [dreg:s9], $0x2FFFF;
	_ =	strace $0x9FFFFFFF  }
0xcb: {  	(tm) =	ssettm $0x7FFFFFFF  }
tec
execute0_lowered:
.L_overlay_start_1:
0x0: {  	(tag) =	ssettag $0x1  }
0x1: {  	s1 =	rddreg [dreg:$0x0];
	s3 =	srdreg.scid  }
0x2: {  	s2 =	rddreg [dreg:$0x1];
	s0 =	stileid.u32;
	s18 =	sand.u32 $0x1, s3  }
0x3: {  	s17 =	rddreg [dreg:$0x2];
	s30 =	sshll.u32 s0, $0xA;
	s4 =	sshll.u32 s18, $0x9  }
0x4: {  	s15 =	rddreg [dreg:$0x3];
	s16 =	sor.u32 s4, s30  }
0x5: {  	s3 =	rddreg [dreg:$0x4];
	s4 =	simm.s32 $0x0;
	s5 =	sshrl.u32 s16, $0x3  }
0x6: {  	[smem:$0x7FF] =	sst s4;
	s19 =	sadd.s32 s5, s17  }
0x7: {  	_ =	strace $0x80000047;
	s5 =	simm.s32 $0x2;
	s6 =	sadd.s32 $0xE00, s19  }
0x8: {  	[tilespmem:s4], [sflag:$0x2] =	stream.linear.gather [hbm4b:s6+s4], $0x200, $0x38;
	[tilespmem:$0x10200] =	vst v63  }
0x9: {  	_ =	swait.ge [sflag:s5], $0x200  }
0xa: {  	[sflag:s5] =	ssyncset.done $0x0  }
0xb: {  	s7 =	simm.s32 $0x80;
	s8 =	simm.s32 $0x200;
	[sflag:s5] =	ssyncadd.s32 $0xFFFFFE00  }
0xc: {  	[tilespmem:s8], [sflag:$0x1] =	stream.indirect.gather [hbm4b:s1+s7], $0x80, s4, s7, $0xb8;
	[tilespmem:$0x10200] =	vst v63  }
0xd: {  	s9 =	simm.s32 $0x4200  }
0xe: {  	[tilespmem:s9], [sflag:$0x1] =	stream.indirect.gather [hbm4b:s1+s7], $0x80, s7, s7, $0xb8;
	[tilespmem:$0x10200] =	vst v63  }
0xf: {  	s10 =	simm.s32 $0x100;
	s11 =	simm.s32 $0x8200  }
0x10: {  	[tilespmem:s11], [sflag:$0x1] =	stream.indirect.gather [hbm4b:s1+s7], $0x80, s10, s7, $0xb8;
	[tilespmem:$0x10200] =	vst v63  }
0x11: {  	s12 =	simm.s32 $0x180;
	s13 =	simm.s32 $0xC200;
	s14 =	simm.s32 $0x1  }
0x12: {  	[tilespmem:s13], [sflag:$0x1] =	stream.indirect.gather [hbm4b:s1+s7], $0x80, s12, s7, $0xb8;
	[tilespmem:$0x10200] =	vst v63  }
0x13: {  	_ =	swait.ge [sflag:s14], $0x4000  }
0x14: {  	[sflag:s14] =	ssyncset.done $0x0  }
0x15: {  	[sflag:s14] =	ssyncadd.s32 $0xFFFFC000  }
0x16: {  	_ =	swait.ge [sflag:s14], $0x4000  }
0x17: {  	[sflag:s14] =	ssyncset.done $0x0  }
0x18: {  	[sflag:s14] =	ssyncadd.s32 $0xFFFFC000  }
0x19: {  	_ =	swait.ge [sflag:s14], $0x4000  }
0x1a: {  	[sflag:s14] =	ssyncset.done $0x0  }
0x1b: {  	[sflag:s14] =	ssyncadd.s32 $0xFFFFC000  }
0x1c: {  	_ =	swait.ge [sflag:s14], $0x4000  }
0x1d: {  	s20 =	sshll.u32 s16, $0x4;
	[sflag:s14] =	ssyncset.done $0x0  }
0x1e: {  	s15 =	sadd.s32 s15, s20;
	[sflag:s14] =	ssyncadd.s32 $0xFFFFC000  }
0x1f: {  	[hbm4b:s15+s4] =	stream.linear.scatter [tilespmem:s8], [sflag:$0x2], $0x10000, $0x38;
	[tilespmem:$0x10200] =	vst v63  }
0x20: {  	_ =	swait.ge [sflag:s5], $0x10000  }
0x21: {  	[sflag:s5] =	ssyncset.done $0x0  }
0x22: {  	s16 =	sadd.s32 $0x1600, s19;
	[sflag:s5] =	ssyncadd.s32 $0xFFFF0000  }
0x23: {  	[tilespmem:s4], [sflag:$0x2] =	stream.linear.gather [hbm4b:s16+s4], $0x200, $0x38;
	[tilespmem:$0x10200] =	vst v63  }
0x24: {  	_ =	swait.ge [sflag:s5], $0x200  }
0x25: {  	[sflag:s5] =	ssyncset.done $0x0  }
0x26: {  	[sflag:s5] =	ssyncadd.s32 $0xFFFFFE00  }
0x27: {  	[tilespmem:s8], [sflag:$0x1] =	stream.indirect.gather [hbm4b:s2+s7], $0x80, s4, s7, $0xb8;
	[tilespmem:$0x10200] =	vst v63  }
0x28: {  	_ = 	snop  }
0x29: {  	[tilespmem:s9], [sflag:$0x1] =	stream.indirect.gather [hbm4b:s2+s7], $0x80, s7, s7, $0xb8;
	[tilespmem:$0x10200] =	vst v63  }
0x2a: {  	_ = 	snop  }
0x2b: {  	[tilespmem:s11], [sflag:$0x1] =	stream.indirect.gather [hbm4b:s2+s7], $0x80, s10, s7, $0xb8;
	[tilespmem:$0x10200] =	vst v63  }
0x2c: {  	_ = 	snop  }
0x2d: {  	[tilespmem:s13], [sflag:$0x1] =	stream.indirect.gather [hbm4b:s2+s7], $0x80, s12, s7, $0xb8;
	[tilespmem:$0x10200] =	vst v63  }
0x2e: {  	_ =	swait.ge [sflag:s14], $0x4000  }
0x2f: {  	[sflag:s14] =	ssyncset.done $0x0  }
0x30: {  	[sflag:s14] =	ssyncadd.s32 $0xFFFFC000  }
0x31: {  	_ =	swait.ge [sflag:s14], $0x4000  }
0x32: {  	[sflag:s14] =	ssyncset.done $0x0  }
0x33: {  	s18 =	ssub.s32 $0x2, s18;
	[sflag:s14] =	ssyncadd.s32 $0xFFFFC000  }
0x34: {  	s31 =	sshrl.u32 s18, $0x1;
	_ =	swait.ge [sflag:s14], $0x4000  }
0x35: {  	s18 =	ssub.s32 s18, s31;
	[sflag:s14] =	ssyncset.done $0x0  }
0x36: {  	s18 =	smax.u32 s18, $0x1;
	[sflag:s14] =	ssyncadd.s32 $0xFFFFC000  }
0x37: {  	p0 =	sne.s32 s18, $0x1;
	_ =	swait.ge [sflag:s14], $0x4000  }
.Ltmp0:
0x38: {  	s17 =	sadd.s32 s20, s17;
	[sflag:s14] =	ssyncset.done $0x0;
	(pc) =	sbr.rel @!p0 .LBB2_2-.Ltmp0, $4  }
0x39: {  	s17 =	sadd.s32 $0x1E00, s17;
	[sflag:s14] =	ssyncadd.s32 $0xFFFFC000  }
0x3a: {  	[hbm4b:s17+s4] =	stream.linear.scatter [tilespmem:s8], [sflag:$0x2], $0x10000, $0x38;
	[tilespmem:$0x10200] =	vst v63  }
0x3b: {  	_ =	swait.ge [sflag:s5], $0x10000  }
0x3c: {  	s18 =	sadd.s32 $0xFFFFFFFF, s18;
	[sflag:s5] =	ssyncset.done $0x0  }
.LBB2_1:
0x3d: {  	p0 =	sne.s32 s18, $0x1;
	s18 =	sadd.s32 $0xFFFFFFFF, s18;
	[sflag:s5] =	ssyncadd.s32 $0xFFFF0000  }
0x3e: {  	[tilespmem:s4], [sflag:$0x2] =	stream.linear.gather [hbm4b:s6+s4], $0x200, $0x38;
	[tilespmem:$0x10200] =	vst v63  }
0x3f: {  	_ =	swait.ge [sflag:s5], $0x200  }
0x40: {  	[sflag:s5] =	ssyncset.done $0x0  }
0x41: {  	[sflag:s5] =	ssyncadd.s32 $0xFFFFFE00  }
0x42: {  	[tilespmem:s8], [sflag:$0x1] =	stream.indirect.gather [hbm4b:s1+s7], $0x80, s4, s7, $0xb8;
	[tilespmem:$0x10200] =	vst v63  }
0x43: {  	_ = 	snop  }
0x44: {  	[tilespmem:s9], [sflag:$0x1] =	stream.indirect.gather [hbm4b:s1+s7], $0x80, s7, s7, $0xb8;
	[tilespmem:$0x10200] =	vst v63  }
0x45: {  	_ = 	snop  }
0x46: {  	[tilespmem:s11], [sflag:$0x1] =	stream.indirect.gather [hbm4b:s1+s7], $0x80, s10, s7, $0xb8;
	[tilespmem:$0x10200] =	vst v63  }
0x47: {  	_ = 	snop  }
0x48: {  	[tilespmem:s13], [sflag:$0x1] =	stream.indirect.gather [hbm4b:s1+s7], $0x80, s12, s7, $0xb8;
	[tilespmem:$0x10200] =	vst v63  }
0x49: {  	_ =	swait.ge [sflag:s14], $0x4000  }
0x4a: {  	[sflag:s14] =	ssyncset.done $0x0  }
0x4b: {  	[sflag:s14] =	ssyncadd.s32 $0xFFFFC000  }
0x4c: {  	_ =	swait.ge [sflag:s14], $0x4000  }
0x4d: {  	[sflag:s14] =	ssyncset.done $0x0  }
0x4e: {  	[sflag:s14] =	ssyncadd.s32 $0xFFFFC000  }
0x4f: {  	_ =	swait.ge [sflag:s14], $0x4000  }
0x50: {  	[sflag:s14] =	ssyncset.done $0x0  }
0x51: {  	[sflag:s14] =	ssyncadd.s32 $0xFFFFC000  }
0x52: {  	_ =	swait.ge [sflag:s14], $0x4000  }
0x53: {  	[sflag:s14] =	ssyncset.done $0x0  }
0x54: {  	[sflag:s14] =	ssyncadd.s32 $0xFFFFC000  }
0x55: {  	[hbm4b:s15+s4] =	stream.linear.scatter [tilespmem:s8], [sflag:$0x2], $0x10000, $0x38;
	[tilespmem:$0x10200] =	vst v63  }
0x56: {  	_ =	swait.ge [sflag:s5], $0x10000  }
0x57: {  	[sflag:s5] =	ssyncset.done $0x0  }
0x58: {  	[sflag:s5] =	ssyncadd.s32 $0xFFFF0000  }
0x59: {  	[tilespmem:s4], [sflag:$0x2] =	stream.linear.gather [hbm4b:s16+s4], $0x200, $0x38;
	[tilespmem:$0x10200] =	vst v63  }
0x5a: {  	_ =	swait.ge [sflag:s5], $0x200  }
0x5b: {  	[sflag:s5] =	ssyncset.done $0x0  }
0x5c: {  	[sflag:s5] =	ssyncadd.s32 $0xFFFFFE00  }
0x5d: {  	[tilespmem:s8], [sflag:$0x1] =	stream.indirect.gather [hbm4b:s2+s7], $0x80, s4, s7, $0xb8;
	[tilespmem:$0x10200] =	vst v63  }
0x5e: {  	_ = 	snop  }
0x5f: {  	[tilespmem:s9], [sflag:$0x1] =	stream.indirect.gather [hbm4b:s2+s7], $0x80, s7, s7, $0xb8;
	[tilespmem:$0x10200] =	vst v63  }
0x60: {  	_ = 	snop  }
0x61: {  	[tilespmem:s11], [sflag:$0x1] =	stream.indirect.gather [hbm4b:s2+s7], $0x80, s10, s7, $0xb8;
	[tilespmem:$0x10200] =	vst v63  }
0x62: {  	_ = 	snop  }
0x63: {  	[tilespmem:s13], [sflag:$0x1] =	stream.indirect.gather [hbm4b:s2+s7], $0x80, s12, s7, $0xb8;
	[tilespmem:$0x10200] =	vst v63  }
0x64: {  	_ =	swait.ge [sflag:s14], $0x4000  }
0x65: {  	[sflag:s14] =	ssyncset.done $0x0  }
0x66: {  	[sflag:s14] =	ssyncadd.s32 $0xFFFFC000  }
0x67: {  	_ =	swait.ge [sflag:s14], $0x4000  }
0x68: {  	[sflag:s14] =	ssyncset.done $0x0  }
0x69: {  	[sflag:s14] =	ssyncadd.s32 $0xFFFFC000  }
0x6a: {  	_ =	swait.ge [sflag:s14], $0x4000  }
0x6b: {  	[sflag:s14] =	ssyncset.done $0x0  }
0x6c: {  	[sflag:s14] =	ssyncadd.s32 $0xFFFFC000  }
0x6d: {  	_ =	swait.ge [sflag:s14], $0x4000  }
.Ltmp1:
0x6e: {  	[sflag:s14] =	ssyncset.done $0x0;
	(pc) =	sbr.rel @p0 .LBB2_1-.Ltmp1, $4  }
0x6f: {  	[sflag:s14] =	ssyncadd.s32 $0xFFFFC000  }
0x70: {  	[hbm4b:s17+s4] =	stream.linear.scatter [tilespmem:s8], [sflag:$0x2], $0x10000, $0x38;
	[tilespmem:$0x10200] =	vst v63  }
0x71: {  	_ =	swait.ge [sflag:s5], $0x10000  }
0x72: {  	[sflag:s5] =	ssyncset.done $0x0  }
.LBB2_2:
0x73: {  	[sflag:s5] =	ssyncadd.s32 $0xFFFF0000  }
0x74: {  	_ =	sfence.sel $0x180000  }
0x75: {  	[bflag:$0x0] =	sbarrier.arrive $0xFFFF  }
0x76: {  	p0 =	sne.s32 s0, $0x0;
	_ =	strace $0x90000047  }
0x77: {  	s0 =	sadd.s32 @!p0 $0x100000, s3;
	[bflag:$0x2] =	sbarrier.arrive $0xFFFF  }
0x78: {  	[sflag:s0] =	ssyncadd.tile.s32 @!p0 $0x1;
	_ =	shalt  }
.Lfunc_end2:
_tile_overlayer_lowered:
.L_overlay_start_2:
0x79: {  	(tag) =	ssettag $0x2  }
0x7a: {  	s0 =	rddreg [dreg:$0x0];
	s2 =	stileid.u32  }
0x7b: {  	s1 =	rddreg [dreg:$0x1];
	p0 =	sne.s32 s2, $0x0  }
0x7c: {  	s3 =	rddreg [dreg:$0x2];
	[bflag:$0x3] =	sbarrier.arrive $0xFFFF;
	s2 =	simm.s32 @!p0 $0x1C02  }
0x7d: {  	[timem:s3], [sflag:s2] =	dma.local @!p0 [hbm:s0], s1  }
0x7e: {  	s0 =	simm.s32 @!p0 $0x2  }
0x7f: {  	_ =	swait.ge @!p0 [sflag:s0], s1  }
0x80: {  	s1 =	ssub.s32 @!p0 $0x0, s1;
	[sflag:s0] =	ssyncset.done @!p0 $0x0  }
0x81: {  	[sflag:s0] =	ssyncadd.s32 @!p0 s1  }
0x82: {  	[bflag:$0x3] =	sbarrier.arrive $0xFFFF  }
0x83: {  	_ =	shalt  }

</sc_bundles>
